<compile_context>
chip_gen: v7x
topology: tpu7x:2x2x1
jax: 0.10.2.dev20260603
libtpu: 0.0.44.dev20260713+nightly
codegen_flags: <defaults>
</compile_context>

<pallas_src>
import functools

import jax
import jax.numpy as jnp
from jax import lax
from jax.experimental import pallas as pl
from jax.experimental.pallas import tpu as pltpu
from jax.experimental.pallas import tpu_sc as plsc

K = 2048
D = 64
NIMG = 32
PIX = 1024
PB = 2048
GRID = NIMG * PIX // PB
NTOT = NIMG * PIX
NW = 32
L = 16

_PREC = jax.lax.Precision.DEFAULT


def _tc_body(x_ref, cm2_ref, c2_ref, iota_ref, idx_ref, loss_ref):
    g = pl.program_id(0)
    xb = jnp.concatenate([x_ref[0], x_ref[1]], axis=1)
    scores = c2_ref[...] + jax.lax.dot(cm2_ref[...], xb, precision=_PREC)
    m = jnp.min(scores, axis=0, keepdims=True)
    idxm = jnp.where(scores == m, iota_ref[...], float(K))
    enc = jnp.min(idxm, axis=0, keepdims=True)
    idx_ref[...] = enc.astype(jnp.int32).reshape(2, 8, 128)

    x2 = jnp.sum(xb * xb, axis=0, keepdims=True)
    step_loss = jnp.sum(m + x2, axis=1, keepdims=True)

    @pl.when(g == 0)
    def _():
        loss_ref[...] = step_loss

    @pl.when(g > 0)
    def _():
        loss_ref[...] += step_loss

    @pl.when(g == GRID - 1)
    def _():
        loss_ref[...] = loss_ref[...] * (1.25 / (NTOT * D))


_SC_MESH = plsc.VectorSubcoreMesh(core_axis_name="c", subcore_axis_name="s")


@functools.partial(
    pl.kernel,
    out_type=[
        jax.ShapeDtypeStruct((NTOT, D), jnp.float32),
        jax.ShapeDtypeStruct((NW, K), jnp.float32),
    ],
    mesh=_SC_MESH,
    compiler_params=pltpu.CompilerParams(
        needs_layout_passes=False, use_tc_tiling_on_sc=False),
    scratch_types=[
        pltpu.VMEM((8, 128), jnp.int32),
        pltpu.VMEM((PIX, D), jnp.float32),
        pltpu.VMEM((K,), jnp.float32),
        pltpu.SemaphoreType.DMA,
    ],
)
def _sc_quantize(codes_hbm, idx_hbm, q_hbm, cnt_hbm, idx_v, rows_v, bins_v, sem):
    n = lax.axis_index("s") * 2 + lax.axis_index("c")
    pltpu.sync_copy(idx_hbm.at[n], idx_v)
    copies = [
        pltpu.async_copy(codes_hbm.at[idx_v.at[j]],
                         rows_v.at[pl.ds(j * 128, 128)], sem)
        for j in range(8)
    ]

    def _zero(i, _):
        bins_v[pl.ds(i * L, L)] = jnp.zeros((L,), jnp.float32)
        return 0
    lax.fori_loop(0, K // L, _zero, 0)

    ones = jnp.ones((L,), jnp.float32)

    def _hist(v, _):
        idx16 = idx_v[v // 8, pl.ds((v % 8) * L, L)]
        plsc.addupdate_scatter(bins_v, [idx16], ones)
        return 0
    lax.fori_loop(0, PIX // L, _hist, 0)
    pltpu.sync_copy(bins_v, cnt_hbm.at[n])

    for c in copies:
        c.wait()
    pltpu.sync_copy(rows_v, q_hbm.at[pl.ds(n * PIX, PIX)])


def kernel(inputs, idx, emb0, emb1, emb2):
    x = inputs.reshape(NIMG, D, PIX)
    codes = jnp.concatenate([emb0, jnp.where(idx == 1, emb1, emb2)], axis=0)
    cm2 = codes * -2.0
    c2 = jnp.sum(codes * codes, axis=1, keepdims=True)

    enc, loss = pl.pallas_call(
        _tc_body,
        grid=(GRID,),
        in_specs=[
            pl.BlockSpec((2, D, PIX), lambda g: (g, 0, 0)),
            pl.BlockSpec((K, D), lambda g: (0, 0)),
            pl.BlockSpec((K, 1), lambda g: (0, 0)),
            pl.BlockSpec((K, 1), lambda g: (0, 0)),
        ],
        out_specs=[
            pl.BlockSpec((2, 8, 128), lambda g: (g, 0, 0)),
            pl.BlockSpec((1, 1), lambda g: (0, 0)),
        ],
        out_shape=[
            jax.ShapeDtypeStruct((NIMG, 8, 128), jnp.int32),
            jax.ShapeDtypeStruct((1, 1), jnp.float32),
        ],
    )(x, cm2, c2, jnp.arange(K, dtype=jnp.float32).reshape(K, 1))

    q_rows, cnt_parts = _sc_quantize(codes, enc)

    counts = jnp.sum(cnt_parts, axis=0)
    avg = counts * (1.0 / NTOT)
    perp = jnp.exp(-jnp.sum(avg * jnp.log(avg + 1e-10)))
    q = jnp.transpose(q_rows.reshape(NIMG, 32, 32, D), (0, 3, 1, 2))
    return q, loss[0, 0], perp

# --- scband reference (transcript-rebuilt; emitter-appended) ---
"""Pipeline reference for scband-ext-vq-86964497809593 (READ-ONLY COPY).

The authoritative reference and input builder live on the scoring server;
editing this copy changes nothing except your own understanding.
"""

import jax, jax.numpy as jnp
import numpy as np

NUM_EMB = 1024
DIM = 64
COMMITMENT_COST = 0.25

def setup_inputs(seed: int = 0) -> dict:
    key = jax.random.key(seed)
    k1, k2, k3, k4 = jax.random.split(key, 4)
    inputs = jax.random.normal(k1, (32, 64, 32, 32), dtype=jnp.float32)
    emb0 = jax.random.normal(k2, (NUM_EMB, DIM), dtype=jnp.float32)
    emb1 = jax.random.normal(k3, (NUM_EMB, DIM), dtype=jnp.float32)
    emb2 = jax.random.normal(k4, (NUM_EMB, DIM), dtype=jnp.float32)
    return {"inputs": inputs, "idx": 1, "emb0": emb0, "emb1": emb1, "emb2": emb2}

def reference(inputs, idx, emb0, emb1, emb2):
    # permute NCHW -> NHWC
    x = jnp.transpose(inputs, (0, 2, 3, 1))
    input_shape = x.shape
    flat_input = x.reshape(-1, emb0.shape[1])
    codes = jnp.concatenate([emb0, jnp.where(idx == 1, emb1, emb2)], axis=0)
    distances = (jnp.sum(flat_input ** 2, axis=1, keepdims=True)
                 + jnp.sum(codes ** 2, axis=1)
                 - 2.0 * jnp.matmul(flat_input, codes.T))
    encoding_indices = jnp.argmin(distances, axis=1)
    N = flat_input.shape[0]
    K = codes.shape[0]
    # scatter-overwrite one-hot encodings (maps to .at[].set scatter)
    encodings = jnp.zeros((N, K), dtype=flat_input.dtype).at[jnp.arange(N), encoding_indices].set(1.0)
    quantized = jnp.matmul(encodings, codes).reshape(input_shape)
    e_latent_loss = jnp.mean((jax.lax.stop_gradient(quantized) - x) ** 2)
    q_latent_loss = jnp.mean((quantized - jax.lax.stop_gradient(x)) ** 2)
    loss = q_latent_loss + COMMITMENT_COST * e_latent_loss
    quantized_st = x + jax.lax.stop_gradient(quantized - x)
    avg_probs = jnp.mean(encodings, axis=0)
    perplexity = jnp.exp(-jnp.sum(avg_probs * jnp.log(avg_probs + 1e-10)))
    return (jnp.transpose(quantized_st, (0, 3, 1, 2)), loss, perplexity)

if __name__ == "__main__":
    import jax
    _d = setup_inputs()
    print(jax.jit(kernel)(*tuple(_d.values())))

</pallas_src>

<mosaic_0001>
#map = affine_map<(d0, d1) -> (0, 0)>
#map1 = affine_map<(d0, d1) -> (0, 0, 0)>
module attributes {stable_mosaic.version = 14 : i64} {
  func.func @_sc_quantize(%arg0: i32, %arg1: i32, %arg2: memref<2048x64xf32, #tpu.memory_space<hbm>>, %arg3: memref<32x8x128xi32, #tpu.memory_space<hbm>>, %arg4: memref<32768x64xf32, #tpu.memory_space<hbm>>, %arg5: memref<32x2048xf32, #tpu.memory_space<hbm>>, %arg6: memref<8x128xi32, #tpu.memory_space<vmem>>, %arg7: memref<1024x64xf32, #tpu.memory_space<vmem>>, %arg8: memref<2048xf32, #tpu.memory_space<vmem>>, %arg9: memref<!tpu.dma_semaphore, #tpu.memory_space<semaphore_mem>>) attributes {dimension_semantics = [#tpu.dimension_semantics<core_parallel>, #tpu.dimension_semantics<subcore_parallel>], iteration_bounds = array<i64: 2, 16>, scalar_prefetch = 0 : i64, scratch_operands = 4 : i64, tpu.core_type = #tpu.core_type<sc_vector_subcore>, window_params = [{transform_indices = #map}, {transform_indices = #map1}, {transform_indices = #map}, {transform_indices = #map}]} {
    %mul3A = arith.constant 2 : i32
    %mul3A_0 = arith.muli %arg1, %mul3A : i32
    %add3A = arith.addi %mul3A_0, %arg0 : i32
    "tpu.region"() ({
      %run_scoped3A = tpu.sem_alloc : memref<!tpu.dma_semaphore, #tpu.memory_space<semaphore_mem>>
      %dma_start3A_175 = arith.constant 0 : i32
      %dma_start3A_176 = arith.constant 0 : i32
      %dma_start3A_177 = tpu.memref_slice %arg3[%add3A, %dma_start3A_175, %dma_start3A_176] : memref<32x8x128xi32, #tpu.memory_space<hbm>> -> memref<1x8x128xi32, #tpu.memory_space<hbm>>
      %dma_start3A_178 = tpu.memref_squeeze %dma_start3A_177 : memref<1x8x128xi32, #tpu.memory_space<hbm>> -> memref<8x128xi32, #tpu.memory_space<hbm>>
      %dma_start3A_179 = arith.constant 0 : i32
      %dma_start3A_180 = arith.constant 0 : i32
      %dma_start3A_181 = tpu.memref_slice %arg3[%add3A, %dma_start3A_179, %dma_start3A_180] : memref<32x8x128xi32, #tpu.memory_space<hbm>> -> memref<1x8x128xi32, #tpu.memory_space<hbm>>
      %dma_start3A_182 = tpu.memref_squeeze %dma_start3A_181 : memref<1x8x128xi32, #tpu.memory_space<hbm>> -> memref<8x128xi32, #tpu.memory_space<hbm>>
      tpu.enqueue_dma source(%dma_start3A_182 : memref<8x128xi32, #tpu.memory_space<hbm>>) target(%arg6 : memref<8x128xi32, #tpu.memory_space<vmem>>) target_semaphore(%run_scoped3A : memref<!tpu.dma_semaphore, #tpu.memory_space<semaphore_mem>>)
      %dma_wait3A_183 = arith.constant 0 : i32
      %dma_wait3A_184 = arith.constant 0 : i32
      %dma_wait3A_185 = tpu.memref_slice %arg3[%add3A, %dma_wait3A_183, %dma_wait3A_184] : memref<32x8x128xi32, #tpu.memory_space<hbm>> -> memref<1x8x128xi32, #tpu.memory_space<hbm>>
      %dma_wait3A_186 = tpu.memref_squeeze %dma_wait3A_185 : memref<1x8x128xi32, #tpu.memory_space<hbm>> -> memref<8x128xi32, #tpu.memory_space<hbm>>
      %dma_wait3A_187 = arith.constant 0 : i32
      %dma_wait3A_188 = arith.constant 0 : i32
      %dma_wait3A_189 = tpu.memref_slice %arg3[%add3A, %dma_wait3A_187, %dma_wait3A_188] : memref<32x8x128xi32, #tpu.memory_space<hbm>> -> memref<1x8x128xi32, #tpu.memory_space<hbm>>
      %dma_wait3A_190 = tpu.memref_squeeze %dma_wait3A_189 : memref<1x8x128xi32, #tpu.memory_space<hbm>> -> memref<8x128xi32, #tpu.memory_space<hbm>>
      tpu.wait_dma2 semaphore(%run_scoped3A : memref<!tpu.dma_semaphore, #tpu.memory_space<semaphore_mem>>) src(%dma_wait3A_190 : memref<8x128xi32, #tpu.memory_space<hbm>>) dst(%arg6 : memref<8x128xi32, #tpu.memory_space<vmem>>)
      tpu.yield
    }) : () -> ()
    %dma_start3A = arith.constant 0 : i32
    %dma_start3A_1 = arith.constant 0 : i32
    %dma_start3A_2 = arith.constant 0 : i32
    %dma_start3A_3 = tpu.memref_slice %arg7[%dma_start3A_1, %dma_start3A_2] : memref<1024x64xf32, #tpu.memory_space<vmem>> -> memref<128x64xf32, #tpu.memory_space<vmem>>
    %dma_start3A_4 = arith.constant 0 : i32
    %dma_start3A_5 = tpu.memref_slice %arg6[%dma_start3A, %dma_start3A_4] : memref<8x128xi32, #tpu.memory_space<vmem>> -> memref<1x128xi32, #tpu.memory_space<vmem>>
    %dma_start3A_6 = tpu.memref_squeeze %dma_start3A_5 : memref<1x128xi32, #tpu.memory_space<vmem>> -> memref<128xi32, #tpu.memory_space<vmem>>
    %dma_start3A_7 = arith.constant 0 : i32
    %dma_start3A_8 = arith.constant 0 : i32
    %dma_start3A_9 = tpu.memref_slice %arg2[%dma_start3A_7, %dma_start3A_8] : memref<2048x64xf32, #tpu.memory_space<hbm>> -> memref<2048x64xf32, #tpu.memory_space<hbm>>
    tpu.enqueue_indirect_dma source(%dma_start3A_9 : memref<2048x64xf32, #tpu.memory_space<hbm>>) target(%dma_start3A_3 : memref<128x64xf32, #tpu.memory_space<vmem>>) offsets(%dma_start3A_6 : memref<128xi32, #tpu.memory_space<vmem>>) semaphore(%arg9 : memref<!tpu.dma_semaphore, #tpu.memory_space<semaphore_mem>>)
    %dma_start3A_10 = arith.constant 1 : i32
    %dma_start3A_11 = arith.constant 128 : i32
    %dma_start3A_12 = arith.constant 0 : i32
    %dma_start3A_13 = tpu.memref_slice %arg7[%dma_start3A_11, %dma_start3A_12] : memref<1024x64xf32, #tpu.memory_space<vmem>> -> memref<128x64xf32, #tpu.memory_space<vmem>>
    %dma_start3A_14 = arith.constant 0 : i32
    %dma_start3A_15 = tpu.memref_slice %arg6[%dma_start3A_10, %dma_start3A_14] : memref<8x128xi32, #tpu.memory_space<vmem>> -> memref<1x128xi32, #tpu.memory_space<vmem>>
    %dma_start3A_16 = tpu.memref_squeeze %dma_start3A_15 : memref<1x128xi32, #tpu.memory_space<vmem>> -> memref<128xi32, #tpu.memory_space<vmem>>
    %dma_start3A_17 = arith.constant 0 : i32
    %dma_start3A_18 = arith.constant 0 : i32
    %dma_start3A_19 = tpu.memref_slice %arg2[%dma_start3A_17, %dma_start3A_18] : memref<2048x64xf32, #tpu.memory_space<hbm>> -> memref<2048x64xf32, #tpu.memory_space<hbm>>
    tpu.enqueue_indirect_dma source(%dma_start3A_19 : memref<2048x64xf32, #tpu.memory_space<hbm>>) target(%dma_start3A_13 : memref<128x64xf32, #tpu.memory_space<vmem>>) offsets(%dma_start3A_16 : memref<128xi32, #tpu.memory_space<vmem>>) semaphore(%arg9 : memref<!tpu.dma_semaphore, #tpu.memory_space<semaphore_mem>>)
    %dma_start3A_20 = arith.constant 2 : i32
    %dma_start3A_21 = arith.constant 256 : i32
    %dma_start3A_22 = arith.constant 0 : i32
    %dma_start3A_23 = tpu.memref_slice %arg7[%dma_start3A_21, %dma_start3A_22] : memref<1024x64xf32, #tpu.memory_space<vmem>> -> memref<128x64xf32, #tpu.memory_space<vmem>>
    %dma_start3A_24 = arith.constant 0 : i32
    %dma_start3A_25 = tpu.memref_slice %arg6[%dma_start3A_20, %dma_start3A_24] : memref<8x128xi32, #tpu.memory_space<vmem>> -> memref<1x128xi32, #tpu.memory_space<vmem>>
    %dma_start3A_26 = tpu.memref_squeeze %dma_start3A_25 : memref<1x128xi32, #tpu.memory_space<vmem>> -> memref<128xi32, #tpu.memory_space<vmem>>
    %dma_start3A_27 = arith.constant 0 : i32
    %dma_start3A_28 = arith.constant 0 : i32
    %dma_start3A_29 = tpu.memref_slice %arg2[%dma_start3A_27, %dma_start3A_28] : memref<2048x64xf32, #tpu.memory_space<hbm>> -> memref<2048x64xf32, #tpu.memory_space<hbm>>
    tpu.enqueue_indirect_dma source(%dma_start3A_29 : memref<2048x64xf32, #tpu.memory_space<hbm>>) target(%dma_start3A_23 : memref<128x64xf32, #tpu.memory_space<vmem>>) offsets(%dma_start3A_26 : memref<128xi32, #tpu.memory_space<vmem>>) semaphore(%arg9 : memref<!tpu.dma_semaphore, #tpu.memory_space<semaphore_mem>>)
    %dma_start3A_30 = arith.constant 3 : i32
    %dma_start3A_31 = arith.constant 384 : i32
    %dma_start3A_32 = arith.constant 0 : i32
    %dma_start3A_33 = tpu.memref_slice %arg7[%dma_start3A_31, %dma_start3A_32] : memref<1024x64xf32, #tpu.memory_space<vmem>> -> memref<128x64xf32, #tpu.memory_space<vmem>>
    %dma_start3A_34 = arith.constant 0 : i32
    %dma_start3A_35 = tpu.memref_slice %arg6[%dma_start3A_30, %dma_start3A_34] : memref<8x128xi32, #tpu.memory_space<vmem>> -> memref<1x128xi32, #tpu.memory_space<vmem>>
    %dma_start3A_36 = tpu.memref_squeeze %dma_start3A_35 : memref<1x128xi32, #tpu.memory_space<vmem>> -> memref<128xi32, #tpu.memory_space<vmem>>
    %dma_start3A_37 = arith.constant 0 : i32
    %dma_start3A_38 = arith.constant 0 : i32
    %dma_start3A_39 = tpu.memref_slice %arg2[%dma_start3A_37, %dma_start3A_38] : memref<2048x64xf32, #tpu.memory_space<hbm>> -> memref<2048x64xf32, #tpu.memory_space<hbm>>
    tpu.enqueue_indirect_dma source(%dma_start3A_39 : memref<2048x64xf32, #tpu.memory_space<hbm>>) target(%dma_start3A_33 : memref<128x64xf32, #tpu.memory_space<vmem>>) offsets(%dma_start3A_36 : memref<128xi32, #tpu.memory_space<vmem>>) semaphore(%arg9 : memref<!tpu.dma_semaphore, #tpu.memory_space<semaphore_mem>>)
    %dma_start3A_40 = arith.constant 4 : i32
    %dma_start3A_41 = arith.constant 512 : i32
    %dma_start3A_42 = arith.constant 0 : i32
    %dma_start3A_43 = tpu.memref_slice %arg7[%dma_start3A_41, %dma_start3A_42] : memref<1024x64xf32, #tpu.memory_space<vmem>> -> memref<128x64xf32, #tpu.memory_space<vmem>>
    %dma_start3A_44 = arith.constant 0 : i32
    %dma_start3A_45 = tpu.memref_slice %arg6[%dma_start3A_40, %dma_start3A_44] : memref<8x128xi32, #tpu.memory_space<vmem>> -> memref<1x128xi32, #tpu.memory_space<vmem>>
    %dma_start3A_46 = tpu.memref_squeeze %dma_start3A_45 : memref<1x128xi32, #tpu.memory_space<vmem>> -> memref<128xi32, #tpu.memory_space<vmem>>
    %dma_start3A_47 = arith.constant 0 : i32
    %dma_start3A_48 = arith.constant 0 : i32
    %dma_start3A_49 = tpu.memref_slice %arg2[%dma_start3A_47, %dma_start3A_48] : memref<2048x64xf32, #tpu.memory_space<hbm>> -> memref<2048x64xf32, #tpu.memory_space<hbm>>
    tpu.enqueue_indirect_dma source(%dma_start3A_49 : memref<2048x64xf32, #tpu.memory_space<hbm>>) target(%dma_start3A_43 : memref<128x64xf32, #tpu.memory_space<vmem>>) offsets(%dma_start3A_46 : memref<128xi32, #tpu.memory_space<vmem>>) semaphore(%arg9 : memref<!tpu.dma_semaphore, #tpu.memory_space<semaphore_mem>>)
    %dma_start3A_50 = arith.constant 5 : i32
    %dma_start3A_51 = arith.constant 640 : i32
    %dma_start3A_52 = arith.constant 0 : i32
    %dma_start3A_53 = tpu.memref_slice %arg7[%dma_start3A_51, %dma_start3A_52] : memref<1024x64xf32, #tpu.memory_space<vmem>> -> memref<128x64xf32, #tpu.memory_space<vmem>>
    %dma_start3A_54 = arith.constant 0 : i32
    %dma_start3A_55 = tpu.memref_slice %arg6[%dma_start3A_50, %dma_start3A_54] : memref<8x128xi32, #tpu.memory_space<vmem>> -> memref<1x128xi32, #tpu.memory_space<vmem>>
    %dma_start3A_56 = tpu.memref_squeeze %dma_start3A_55 : memref<1x128xi32, #tpu.memory_space<vmem>> -> memref<128xi32, #tpu.memory_space<vmem>>
    %dma_start3A_57 = arith.constant 0 : i32
    %dma_start3A_58 = arith.constant 0 : i32
    %dma_start3A_59 = tpu.memref_slice %arg2[%dma_start3A_57, %dma_start3A_58] : memref<2048x64xf32, #tpu.memory_space<hbm>> -> memref<2048x64xf32, #tpu.memory_space<hbm>>
    tpu.enqueue_indirect_dma source(%dma_start3A_59 : memref<2048x64xf32, #tpu.memory_space<hbm>>) target(%dma_start3A_53 : memref<128x64xf32, #tpu.memory_space<vmem>>) offsets(%dma_start3A_56 : memref<128xi32, #tpu.memory_space<vmem>>) semaphore(%arg9 : memref<!tpu.dma_semaphore, #tpu.memory_space<semaphore_mem>>)
    %dma_start3A_60 = arith.constant 6 : i32
    %dma_start3A_61 = arith.constant 768 : i32
    %dma_start3A_62 = arith.constant 0 : i32
    %dma_start3A_63 = tpu.memref_slice %arg7[%dma_start3A_61, %dma_start3A_62] : memref<1024x64xf32, #tpu.memory_space<vmem>> -> memref<128x64xf32, #tpu.memory_space<vmem>>
    %dma_start3A_64 = arith.constant 0 : i32
    %dma_start3A_65 = tpu.memref_slice %arg6[%dma_start3A_60, %dma_start3A_64] : memref<8x128xi32, #tpu.memory_space<vmem>> -> memref<1x128xi32, #tpu.memory_space<vmem>>
    %dma_start3A_66 = tpu.memref_squeeze %dma_start3A_65 : memref<1x128xi32, #tpu.memory_space<vmem>> -> memref<128xi32, #tpu.memory_space<vmem>>
    %dma_start3A_67 = arith.constant 0 : i32
    %dma_start3A_68 = arith.constant 0 : i32
    %dma_start3A_69 = tpu.memref_slice %arg2[%dma_start3A_67, %dma_start3A_68] : memref<2048x64xf32, #tpu.memory_space<hbm>> -> memref<2048x64xf32, #tpu.memory_space<hbm>>
    tpu.enqueue_indirect_dma source(%dma_start3A_69 : memref<2048x64xf32, #tpu.memory_space<hbm>>) target(%dma_start3A_63 : memref<128x64xf32, #tpu.memory_space<vmem>>) offsets(%dma_start3A_66 : memref<128xi32, #tpu.memory_space<vmem>>) semaphore(%arg9 : memref<!tpu.dma_semaphore, #tpu.memory_space<semaphore_mem>>)
    %dma_start3A_70 = arith.constant 7 : i32
    %dma_start3A_71 = arith.constant 896 : i32
    %dma_start3A_72 = arith.constant 0 : i32
    %dma_start3A_73 = tpu.memref_slice %arg7[%dma_start3A_71, %dma_start3A_72] : memref<1024x64xf32, #tpu.memory_space<vmem>> -> memref<128x64xf32, #tpu.memory_space<vmem>>
    %dma_start3A_74 = arith.constant 0 : i32
    %dma_start3A_75 = tpu.memref_slice %arg6[%dma_start3A_70, %dma_start3A_74] : memref<8x128xi32, #tpu.memory_space<vmem>> -> memref<1x128xi32, #tpu.memory_space<vmem>>
    %dma_start3A_76 = tpu.memref_squeeze %dma_start3A_75 : memref<1x128xi32, #tpu.memory_space<vmem>> -> memref<128xi32, #tpu.memory_space<vmem>>
    %dma_start3A_77 = arith.constant 0 : i32
    %dma_start3A_78 = arith.constant 0 : i32
    %dma_start3A_79 = tpu.memref_slice %arg2[%dma_start3A_77, %dma_start3A_78] : memref<2048x64xf32, #tpu.memory_space<hbm>> -> memref<2048x64xf32, #tpu.memory_space<hbm>>
    tpu.enqueue_indirect_dma source(%dma_start3A_79 : memref<2048x64xf32, #tpu.memory_space<hbm>>) target(%dma_start3A_73 : memref<128x64xf32, #tpu.memory_space<vmem>>) offsets(%dma_start3A_76 : memref<128xi32, #tpu.memory_space<vmem>>) semaphore(%arg9 : memref<!tpu.dma_semaphore, #tpu.memory_space<semaphore_mem>>)
    %scan3A = arith.constant 0 : i32
    %scan3A_80 = arith.constant 0 : i32
    %scan3A_81 = arith.constant 128 : i32
    %scan3A_82 = arith.addi %scan3A_80, %scan3A_81 : i32
    %scan3A_83 = arith.constant 1 : i32
    %scan3A_84 = scf.for %scan3A_175 = %scan3A_80 to %scan3A_82 step %scan3A_83 iter_args(%scan3A_176 = %scan3A) -> (i32)  : i32 {
      %broadcast_in_dim3A_177 = arith.constant 0.000000e+00 : f32
      %broadcast_in_dim3A_178 = vector.broadcast %broadcast_in_dim3A_177 : f32 to vector<16xf32>
      %mul3A_179 = arith.constant 16 : i32
      %mul3A_180 = arith.muli %scan3A_175, %mul3A_179 : i32
      %swap3A = arith.index_cast %mul3A_180 : i32 to index
      %swap3A_181 = tpu.vector_load %arg8[%swap3A] {strides = array<i32>} : memref<2048xf32, #tpu.memory_space<vmem>>, vector<16xf32>,
      tpu.vector_store %arg8[%swap3A], %broadcast_in_dim3A_178 {strides = array<i32>} : memref<2048xf32, #tpu.memory_space<vmem>>, vector<16xf32>,
      %scan3A_182 = arith.constant 0 : i32
      scf.yield %scan3A_182 : i32
    }
    %scan3A_85 = arith.constant 128 : i32
    %broadcast_in_dim3A = arith.constant 1.000000e+00 : f32
    %broadcast_in_dim3A_86 = vector.broadcast %broadcast_in_dim3A : f32 to vector<16xf32>
    %scan3A_87 = arith.constant 0 : i32
    %scan3A_88 = arith.constant 0 : i32
    %scan3A_89 = arith.constant 64 : i32
    %scan3A_90 = arith.addi %scan3A_88, %scan3A_89 : i32
    %scan3A_91 = arith.constant 1 : i32
    %scan3A_92 = scf.for %scan3A_175 = %scan3A_88 to %scan3A_90 step %scan3A_91 iter_args(%scan3A_176 = %scan3A_87) -> (i32)  : i32 {
      %jit3A = arith.constant 8 : i32
      %div3A = arith.divsi %scan3A_175, %jit3A : i32
      %sign3A = arith.constant 0 : i32
      %sign3A_177 = arith.cmpi sgt, %scan3A_175, %sign3A : i32
      %sign3A_178 = arith.extui %sign3A_177 : i1 to i32
      %sign3A_179 = arith.constant 0 : i32
      %sign3A_180 = arith.cmpi slt, %scan3A_175, %sign3A_179 : i32
      %sign3A_181 = arith.extui %sign3A_180 : i1 to i32
      %sign3A_182 = arith.subi %sign3A_178, %sign3A_181 : i32
      %sign3A_183 = arith.constant 0 : i32
      %sign3A_184 = arith.cmpi sgt, %jit3A, %sign3A_183 : i32
      %sign3A_185 = arith.extui %sign3A_184 : i1 to i32
      %sign3A_186 = arith.constant 0 : i32
      %sign3A_187 = arith.cmpi slt, %jit3A, %sign3A_186 : i32
      %sign3A_188 = arith.extui %sign3A_187 : i1 to i32
      %sign3A_189 = arith.subi %sign3A_185, %sign3A_188 : i32
      %ne3A = arith.cmpi ne, %sign3A_182, %sign3A_189 : i32
      %rem3A = arith.remsi %scan3A_175, %jit3A : i32
      %ne3A_190 = arith.constant 0 : i32
      %ne3A_191 = arith.cmpi ne, %rem3A, %ne3A_190 : i32
      %and3A = arith.andi %ne3A, %ne3A_191 : i1
      %sub3A = arith.constant 1 : i32
      %sub3A_192 = arith.subi %div3A, %sub3A : i32
      %select_n3A = arith.select %and3A, %sub3A_192, %div3A : i32
      %jit3A_193 = arith.constant 8 : i32
      %eq3A = arith.constant 0 : i32
      %eq3A_194 = arith.cmpi eq, %jit3A_193, %eq3A : i32
      %jit3A_195 = arith.constant 1 : i32
      %select_n3A_196 = arith.select %eq3A_194, %jit3A_195, %jit3A_193 : i32
      %rem3A_197 = arith.remsi %scan3A_175, %select_n3A_196 : i32
      %ne3A_198 = arith.constant 0 : i32
      %ne3A_199 = arith.cmpi ne, %rem3A_197, %ne3A_198 : i32
      %lt3A = arith.constant 0 : i32
      %lt3A_200 = arith.cmpi slt, %rem3A_197, %lt3A : i32
      %lt3A_201 = arith.constant 0 : i32
      %lt3A_202 = arith.cmpi slt, %select_n3A_196, %lt3A_201 : i32
      %ne3A_203 = arith.xori %lt3A_200, %lt3A_202 : i1
      %and3A_204 = arith.andi %ne3A_203, %ne3A_199 : i1
      %add3A_205 = arith.addi %rem3A_197, %select_n3A_196 : i32
      %select_n3A_206 = arith.select %and3A_204, %add3A_205, %rem3A_197 : i32
      %mul3A_207 = arith.constant 16 : i32
      %mul3A_208 = arith.muli %select_n3A_206, %mul3A_207 : i32
      %get3A = arith.index_cast %select_n3A : i32 to index
      %get3A_209 = arith.index_cast %mul3A_208 : i32 to index
      %get3A_210 = tpu.vector_load %arg6[%get3A, %get3A_209] {strides = array<i32>} : memref<8x128xi32, #tpu.memory_space<vmem>>, vector<16xi32>,
      tpu.vector_store_idx %arg8[%get3A_210], %broadcast_in_dim3A_86 {add = true} : memref<2048xf32, #tpu.memory_space<vmem>>[vector<16xi32>], vector<16xf32>,
      %scan3A_211 = arith.constant 0 : i32
      scf.yield %scan3A_211 : i32
    }
    %scan3A_93 = arith.constant 64 : i32
    "tpu.region"() ({
      %run_scoped3A = tpu.sem_alloc : memref<!tpu.dma_semaphore, #tpu.memory_space<semaphore_mem>>
      %dma_start3A_175 = arith.constant 0 : i32
      %dma_start3A_176 = tpu.memref_slice %arg5[%add3A, %dma_start3A_175] : memref<32x2048xf32, #tpu.memory_space<hbm>> -> memref<1x2048xf32, #tpu.memory_space<hbm>>
      %dma_start3A_177 = tpu.memref_squeeze %dma_start3A_176 : memref<1x2048xf32, #tpu.memory_space<hbm>> -> memref<2048xf32, #tpu.memory_space<hbm>>
      %dma_start3A_178 = arith.constant 0 : i32
      %dma_start3A_179 = tpu.memref_slice %arg5[%add3A, %dma_start3A_178] : memref<32x2048xf32, #tpu.memory_space<hbm>> -> memref<1x2048xf32, #tpu.memory_space<hbm>>
      %dma_start3A_180 = tpu.memref_squeeze %dma_start3A_179 : memref<1x2048xf32, #tpu.memory_space<hbm>> -> memref<2048xf32, #tpu.memory_space<hbm>>
      tpu.enqueue_dma source(%arg8 : memref<2048xf32, #tpu.memory_space<vmem>>) target(%dma_start3A_180 : memref<2048xf32, #tpu.memory_space<hbm>>) target_semaphore(%run_scoped3A : memref<!tpu.dma_semaphore, #tpu.memory_space<semaphore_mem>>)
      %dma_wait3A_181 = arith.constant 0 : i32
      %dma_wait3A_182 = tpu.memref_slice %arg5[%add3A, %dma_wait3A_181] : memref<32x2048xf32, #tpu.memory_space<hbm>> -> memref<1x2048xf32, #tpu.memory_space<hbm>>
      %dma_wait3A_183 = tpu.memref_squeeze %dma_wait3A_182 : memref<1x2048xf32, #tpu.memory_space<hbm>> -> memref<2048xf32, #tpu.memory_space<hbm>>
      %dma_wait3A_184 = arith.constant 0 : i32
      %dma_wait3A_185 = tpu.memref_slice %arg5[%add3A, %dma_wait3A_184] : memref<32x2048xf32, #tpu.memory_space<hbm>> -> memref<1x2048xf32, #tpu.memory_space<hbm>>
      %dma_wait3A_186 = tpu.memref_squeeze %dma_wait3A_185 : memref<1x2048xf32, #tpu.memory_space<hbm>> -> memref<2048xf32, #tpu.memory_space<hbm>>
      tpu.wait_dma2 semaphore(%run_scoped3A : memref<!tpu.dma_semaphore, #tpu.memory_space<semaphore_mem>>) src(%arg8 : memref<2048xf32, #tpu.memory_space<vmem>>) dst(%dma_wait3A_186 : memref<2048xf32, #tpu.memory_space<hbm>>)
      tpu.yield
    }) : () -> ()
    %dma_wait3A = arith.constant 0 : i32
    %dma_wait3A_94 = arith.constant 0 : i32
    %dma_wait3A_95 = arith.constant 0 : i32
    %dma_wait3A_96 = tpu.memref_slice %arg7[%dma_wait3A_94, %dma_wait3A_95] : memref<1024x64xf32, #tpu.memory_space<vmem>> -> memref<128x64xf32, #tpu.memory_space<vmem>>
    %dma_wait3A_97 = arith.constant 0 : i32
    %dma_wait3A_98 = tpu.memref_slice %arg6[%dma_wait3A, %dma_wait3A_97] : memref<8x128xi32, #tpu.memory_space<vmem>> -> memref<1x128xi32, #tpu.memory_space<vmem>>
    %dma_wait3A_99 = tpu.memref_squeeze %dma_wait3A_98 : memref<1x128xi32, #tpu.memory_space<vmem>> -> memref<128xi32, #tpu.memory_space<vmem>>
    %dma_wait3A_100 = arith.constant 0 : i32
    %dma_wait3A_101 = arith.constant 0 : i32
    %dma_wait3A_102 = tpu.memref_slice %arg2[%dma_wait3A_100, %dma_wait3A_101] : memref<2048x64xf32, #tpu.memory_space<hbm>> -> memref<2048x64xf32, #tpu.memory_space<hbm>>
    tpu.wait_indirect_dma semaphore(%arg9 : memref<!tpu.dma_semaphore, #tpu.memory_space<semaphore_mem>>) src(%dma_wait3A_102 : memref<2048x64xf32, #tpu.memory_space<hbm>>) dst(%dma_wait3A_96 : memref<128x64xf32, #tpu.memory_space<vmem>>)
    %dma_wait3A_103 = arith.constant 1 : i32
    %dma_wait3A_104 = arith.constant 128 : i32
    %dma_wait3A_105 = arith.constant 0 : i32
    %dma_wait3A_106 = tpu.memref_slice %arg7[%dma_wait3A_104, %dma_wait3A_105] : memref<1024x64xf32, #tpu.memory_space<vmem>> -> memref<128x64xf32, #tpu.memory_space<vmem>>
    %dma_wait3A_107 = arith.constant 0 : i32
    %dma_wait3A_108 = tpu.memref_slice %arg6[%dma_wait3A_103, %dma_wait3A_107] : memref<8x128xi32, #tpu.memory_space<vmem>> -> memref<1x128xi32, #tpu.memory_space<vmem>>
    %dma_wait3A_109 = tpu.memref_squeeze %dma_wait3A_108 : memref<1x128xi32, #tpu.memory_space<vmem>> -> memref<128xi32, #tpu.memory_space<vmem>>
    %dma_wait3A_110 = arith.constant 0 : i32
    %dma_wait3A_111 = arith.constant 0 : i32
    %dma_wait3A_112 = tpu.memref_slice %arg2[%dma_wait3A_110, %dma_wait3A_111] : memref<2048x64xf32, #tpu.memory_space<hbm>> -> memref<2048x64xf32, #tpu.memory_space<hbm>>
    tpu.wait_indirect_dma semaphore(%arg9 : memref<!tpu.dma_semaphore, #tpu.memory_space<semaphore_mem>>) src(%dma_wait3A_112 : memref<2048x64xf32, #tpu.memory_space<hbm>>) dst(%dma_wait3A_106 : memref<128x64xf32, #tpu.memory_space<vmem>>)
    %dma_wait3A_113 = arith.constant 2 : i32
    %dma_wait3A_114 = arith.constant 256 : i32
    %dma_wait3A_115 = arith.constant 0 : i32
    %dma_wait3A_116 = tpu.memref_slice %arg7[%dma_wait3A_114, %dma_wait3A_115] : memref<1024x64xf32, #tpu.memory_space<vmem>> -> memref<128x64xf32, #tpu.memory_space<vmem>>
    %dma_wait3A_117 = arith.constant 0 : i32
    %dma_wait3A_118 = tpu.memref_slice %arg6[%dma_wait3A_113, %dma_wait3A_117] : memref<8x128xi32, #tpu.memory_space<vmem>> -> memref<1x128xi32, #tpu.memory_space<vmem>>
    %dma_wait3A_119 = tpu.memref_squeeze %dma_wait3A_118 : memref<1x128xi32, #tpu.memory_space<vmem>> -> memref<128xi32, #tpu.memory_space<vmem>>
    %dma_wait3A_120 = arith.constant 0 : i32
    %dma_wait3A_121 = arith.constant 0 : i32
    %dma_wait3A_122 = tpu.memref_slice %arg2[%dma_wait3A_120, %dma_wait3A_121] : memref<2048x64xf32, #tpu.memory_space<hbm>> -> memref<2048x64xf32, #tpu.memory_space<hbm>>
    tpu.wait_indirect_dma semaphore(%arg9 : memref<!tpu.dma_semaphore, #tpu.memory_space<semaphore_mem>>) src(%dma_wait3A_122 : memref<2048x64xf32, #tpu.memory_space<hbm>>) dst(%dma_wait3A_116 : memref<128x64xf32, #tpu.memory_space<vmem>>)
    %dma_wait3A_123 = arith.constant 3 : i32
    %dma_wait3A_124 = arith.constant 384 : i32
    %dma_wait3A_125 = arith.constant 0 : i32
    %dma_wait3A_126 = tpu.memref_slice %arg7[%dma_wait3A_124, %dma_wait3A_125] : memref<1024x64xf32, #tpu.memory_space<vmem>> -> memref<128x64xf32, #tpu.memory_space<vmem>>
    %dma_wait3A_127 = arith.constant 0 : i32
    %dma_wait3A_128 = tpu.memref_slice %arg6[%dma_wait3A_123, %dma_wait3A_127] : memref<8x128xi32, #tpu.memory_space<vmem>> -> memref<1x128xi32, #tpu.memory_space<vmem>>
    %dma_wait3A_129 = tpu.memref_squeeze %dma_wait3A_128 : memref<1x128xi32, #tpu.memory_space<vmem>> -> memref<128xi32, #tpu.memory_space<vmem>>
    %dma_wait3A_130 = arith.constant 0 : i32
    %dma_wait3A_131 = arith.constant 0 : i32
    %dma_wait3A_132 = tpu.memref_slice %arg2[%dma_wait3A_130, %dma_wait3A_131] : memref<2048x64xf32, #tpu.memory_space<hbm>> -> memref<2048x64xf32, #tpu.memory_space<hbm>>
    tpu.wait_indirect_dma semaphore(%arg9 : memref<!tpu.dma_semaphore, #tpu.memory_space<semaphore_mem>>) src(%dma_wait3A_132 : memref<2048x64xf32, #tpu.memory_space<hbm>>) dst(%dma_wait3A_126 : memref<128x64xf32, #tpu.memory_space<vmem>>)
    %dma_wait3A_133 = arith.constant 4 : i32
    %dma_wait3A_134 = arith.constant 512 : i32
    %dma_wait3A_135 = arith.constant 0 : i32
    %dma_wait3A_136 = tpu.memref_slice %arg7[%dma_wait3A_134, %dma_wait3A_135] : memref<1024x64xf32, #tpu.memory_space<vmem>> -> memref<128x64xf32, #tpu.memory_space<vmem>>
    %dma_wait3A_137 = arith.constant 0 : i32
    %dma_wait3A_138 = tpu.memref_slice %arg6[%dma_wait3A_133, %dma_wait3A_137] : memref<8x128xi32, #tpu.memory_space<vmem>> -> memref<1x128xi32, #tpu.memory_space<vmem>>
    %dma_wait3A_139 = tpu.memref_squeeze %dma_wait3A_138 : memref<1x128xi32, #tpu.memory_space<vmem>> -> memref<128xi32, #tpu.memory_space<vmem>>
    %dma_wait3A_140 = arith.constant 0 : i32
    %dma_wait3A_141 = arith.constant 0 : i32
    %dma_wait3A_142 = tpu.memref_slice %arg2[%dma_wait3A_140, %dma_wait3A_141] : memref<2048x64xf32, #tpu.memory_space<hbm>> -> memref<2048x64xf32, #tpu.memory_space<hbm>>
    tpu.wait_indirect_dma semaphore(%arg9 : memref<!tpu.dma_semaphore, #tpu.memory_space<semaphore_mem>>) src(%dma_wait3A_142 : memref<2048x64xf32, #tpu.memory_space<hbm>>) dst(%dma_wait3A_136 : memref<128x64xf32, #tpu.memory_space<vmem>>)
    %dma_wait3A_143 = arith.constant 5 : i32
    %dma_wait3A_144 = arith.constant 640 : i32
    %dma_wait3A_145 = arith.constant 0 : i32
    %dma_wait3A_146 = tpu.memref_slice %arg7[%dma_wait3A_144, %dma_wait3A_145] : memref<1024x64xf32, #tpu.memory_space<vmem>> -> memref<128x64xf32, #tpu.memory_space<vmem>>
    %dma_wait3A_147 = arith.constant 0 : i32
    %dma_wait3A_148 = tpu.memref_slice %arg6[%dma_wait3A_143, %dma_wait3A_147] : memref<8x128xi32, #tpu.memory_space<vmem>> -> memref<1x128xi32, #tpu.memory_space<vmem>>
    %dma_wait3A_149 = tpu.memref_squeeze %dma_wait3A_148 : memref<1x128xi32, #tpu.memory_space<vmem>> -> memref<128xi32, #tpu.memory_space<vmem>>
    %dma_wait3A_150 = arith.constant 0 : i32
    %dma_wait3A_151 = arith.constant 0 : i32
    %dma_wait3A_152 = tpu.memref_slice %arg2[%dma_wait3A_150, %dma_wait3A_151] : memref<2048x64xf32, #tpu.memory_space<hbm>> -> memref<2048x64xf32, #tpu.memory_space<hbm>>
    tpu.wait_indirect_dma semaphore(%arg9 : memref<!tpu.dma_semaphore, #tpu.memory_space<semaphore_mem>>) src(%dma_wait3A_152 : memref<2048x64xf32, #tpu.memory_space<hbm>>) dst(%dma_wait3A_146 : memref<128x64xf32, #tpu.memory_space<vmem>>)
    %dma_wait3A_153 = arith.constant 6 : i32
    %dma_wait3A_154 = arith.constant 768 : i32
    %dma_wait3A_155 = arith.constant 0 : i32
    %dma_wait3A_156 = tpu.memref_slice %arg7[%dma_wait3A_154, %dma_wait3A_155] : memref<1024x64xf32, #tpu.memory_space<vmem>> -> memref<128x64xf32, #tpu.memory_space<vmem>>
    %dma_wait3A_157 = arith.constant 0 : i32
    %dma_wait3A_158 = tpu.memref_slice %arg6[%dma_wait3A_153, %dma_wait3A_157] : memref<8x128xi32, #tpu.memory_space<vmem>> -> memref<1x128xi32, #tpu.memory_space<vmem>>
    %dma_wait3A_159 = tpu.memref_squeeze %dma_wait3A_158 : memref<1x128xi32, #tpu.memory_space<vmem>> -> memref<128xi32, #tpu.memory_space<vmem>>
    %dma_wait3A_160 = arith.constant 0 : i32
    %dma_wait3A_161 = arith.constant 0 : i32
    %dma_wait3A_162 = tpu.memref_slice %arg2[%dma_wait3A_160, %dma_wait3A_161] : memref<2048x64xf32, #tpu.memory_space<hbm>> -> memref<2048x64xf32, #tpu.memory_space<hbm>>
    tpu.wait_indirect_dma semaphore(%arg9 : memref<!tpu.dma_semaphore, #tpu.memory_space<semaphore_mem>>) src(%dma_wait3A_162 : memref<2048x64xf32, #tpu.memory_space<hbm>>) dst(%dma_wait3A_156 : memref<128x64xf32, #tpu.memory_space<vmem>>)
    %dma_wait3A_163 = arith.constant 7 : i32
    %dma_wait3A_164 = arith.constant 896 : i32
    %dma_wait3A_165 = arith.constant 0 : i32
    %dma_wait3A_166 = tpu.memref_slice %arg7[%dma_wait3A_164, %dma_wait3A_165] : memref<1024x64xf32, #tpu.memory_space<vmem>> -> memref<128x64xf32, #tpu.memory_space<vmem>>
    %dma_wait3A_167 = arith.constant 0 : i32
    %dma_wait3A_168 = tpu.memref_slice %arg6[%dma_wait3A_163, %dma_wait3A_167] : memref<8x128xi32, #tpu.memory_space<vmem>> -> memref<1x128xi32, #tpu.memory_space<vmem>>
    %dma_wait3A_169 = tpu.memref_squeeze %dma_wait3A_168 : memref<1x128xi32, #tpu.memory_space<vmem>> -> memref<128xi32, #tpu.memory_space<vmem>>
    %dma_wait3A_170 = arith.constant 0 : i32
    %dma_wait3A_171 = arith.constant 0 : i32
    %dma_wait3A_172 = tpu.memref_slice %arg2[%dma_wait3A_170, %dma_wait3A_171] : memref<2048x64xf32, #tpu.memory_space<hbm>> -> memref<2048x64xf32, #tpu.memory_space<hbm>>
    tpu.wait_indirect_dma semaphore(%arg9 : memref<!tpu.dma_semaphore, #tpu.memory_space<semaphore_mem>>) src(%dma_wait3A_172 : memref<2048x64xf32, #tpu.memory_space<hbm>>) dst(%dma_wait3A_166 : memref<128x64xf32, #tpu.memory_space<vmem>>)
    %mul3A_173 = arith.constant 1024 : i32
    %mul3A_174 = arith.muli %add3A, %mul3A_173 : i32
    "tpu.region"() ({
      %run_scoped3A = tpu.sem_alloc : memref<!tpu.dma_semaphore, #tpu.memory_space<semaphore_mem>>
      %dma_start3A_175 = arith.constant 0 : i32
      %dma_start3A_176 = tpu.memref_slice %arg4[%mul3A_174, %dma_start3A_175] : memref<32768x64xf32, #tpu.memory_space<hbm>> -> memref<1024x64xf32, #tpu.memory_space<hbm>>
      %dma_start3A_177 = arith.constant 0 : i32
      %dma_start3A_178 = tpu.memref_slice %arg4[%mul3A_174, %dma_start3A_177] : memref<32768x64xf32, #tpu.memory_space<hbm>> -> memref<1024x64xf32, #tpu.memory_space<hbm>>
      tpu.enqueue_dma source(%arg7 : memref<1024x64xf32, #tpu.memory_space<vmem>>) target(%dma_start3A_178 : memref<1024x64xf32, #tpu.memory_space<hbm>>) target_semaphore(%run_scoped3A : memref<!tpu.dma_semaphore, #tpu.memory_space<semaphore_mem>>)
      %dma_wait3A_179 = arith.constant 0 : i32
      %dma_wait3A_180 = tpu.memref_slice %arg4[%mul3A_174, %dma_wait3A_179] : memref<32768x64xf32, #tpu.memory_space<hbm>> -> memref<1024x64xf32, #tpu.memory_space<hbm>>
      %dma_wait3A_181 = arith.constant 0 : i32
      %dma_wait3A_182 = tpu.memref_slice %arg4[%mul3A_174, %dma_wait3A_181] : memref<32768x64xf32, #tpu.memory_space<hbm>> -> memref<1024x64xf32, #tpu.memory_space<hbm>>
      tpu.wait_dma2 semaphore(%run_scoped3A : memref<!tpu.dma_semaphore, #tpu.memory_space<semaphore_mem>>) src(%arg7 : memref<1024x64xf32, #tpu.memory_space<vmem>>) dst(%dma_wait3A_182 : memref<1024x64xf32, #tpu.memory_space<hbm>>)
      tpu.yield
    }) : () -> ()
    return
  }
}

module attributes {stable_mosaic.version = 14 : i64} {
  func.func @_tc_body(%arg0: i32, %arg1: memref<2x64x1024xf32, #tpu.memory_space<vmem>>, %arg2: memref<2048x64xf32, #tpu.memory_space<vmem>>, %arg3: memref<2048x1xf32, #tpu.memory_space<vmem>>, %arg4: memref<2048x1xf32, #tpu.memory_space<vmem>>, %arg5: memref<2x8x128xi32, #tpu.memory_space<vmem>>, %arg6: memref<1x1xf32, #tpu.memory_space<vmem>>) attributes {dimension_semantics = [#tpu.dimension_semantics<arbitrary>], iteration_bounds = array<i64: 16>, scalar_prefetch = 0 : i64, scratch_operands = 0 : i64, tpu.core_type = #tpu.core_type<tc>, window_params = [{transform_indices = @transform_0, window_bounds = array<i64: 2, 64, 1024>}, {pipeline_mode = #tpu.pipeline_mode<synchronous>, transform_indices = @transform_1, window_bounds = array<i64: 2048, 64>}, {pipeline_mode = #tpu.pipeline_mode<synchronous>, transform_indices = @transform_2, window_bounds = array<i64: 2048, 1>}, {pipeline_mode = #tpu.pipeline_mode<synchronous>, transform_indices = @transform_3, window_bounds = array<i64: 2048, 1>}, {transform_indices = @transform_4, window_bounds = array<i64: 2, 8, 128>}, {pipeline_mode = #tpu.pipeline_mode<synchronous>, transform_indices = @transform_5, window_bounds = array<i64: 1, 1>}]} {
    %get3A = arith.constant 0 : index
    %get3A_0 = arith.constant 0 : index
    %get3A_1 = arith.constant 0 : index
    %get3A_2 = vector.load %arg1[%get3A, %get3A_0, %get3A_1] : memref<2x64x1024xf32, #tpu.memory_space<vmem>>, vector<1x64x1024xf32>
    %get3A_3 = vector.shape_cast %get3A_2 : vector<1x64x1024xf32> to vector<64x1024xf32>
    %get3A_4 = arith.constant 1 : index
    %get3A_5 = arith.constant 0 : index
    %get3A_6 = arith.constant 0 : index
    %get3A_7 = vector.load %arg1[%get3A_4, %get3A_5, %get3A_6] : memref<2x64x1024xf32, #tpu.memory_space<vmem>>, vector<1x64x1024xf32>
    %get3A_8 = vector.shape_cast %get3A_7 : vector<1x64x1024xf32> to vector<64x1024xf32>
    %concatenate3A = tpu.concatenate %get3A_3, %get3A_8 in 1 : vector<64x1024xf32>, vector<64x1024xf32> -> vector<64x2048xf32>
    %get3A_9 = arith.constant 0 : index
    %get3A_10 = arith.constant 0 : index
    %get3A_11 = vector.load %arg3[%get3A_9, %get3A_10] : memref<2048x1xf32, #tpu.memory_space<vmem>>, vector<2048x1xf32>
    %get3A_12 = arith.constant 0 : index
    %get3A_13 = arith.constant 0 : index
    %get3A_14 = vector.load %arg2[%get3A_12, %get3A_13] : memref<2048x64xf32, #tpu.memory_space<vmem>>, vector<2048x64xf32>
    %dot_general3A = arith.constant dense<0.000000e+00> : vector<2048x2048xf32>
    %dot_general3A_15 = tpu.matmul %get3A_14, %concatenate3A, %dot_general3A {dimension_numbers = #tpu.dot_dimension_numbers<[1], [0], [0], [1], [0, 0, 1, 1], [], []>, transpose_lhs_hint = false} : vector<2048x64xf32>, vector<64x2048xf32>, vector<2048x2048xf32> -> vector<2048x2048xf32>
    %add3A = vector.broadcast %get3A_11 : vector<2048x1xf32> to vector<2048x2048xf32>
    %add3A_16 = arith.addf %add3A, %dot_general3A_15 : vector<2048x2048xf32>
    %reduce_min3A = arith.constant dense<0x7F800000> : vector<2048xf32>
    %reduce_min3A_17 = vector.multi_reduction <minimumf>, %add3A_16, %reduce_min3A [0] : vector<2048x2048xf32> to vector<2048xf32>
    %broadcast_in_dim3A = vector.shape_cast %reduce_min3A_17 : vector<2048xf32> to vector<1x2048xf32>
    %eq3A = vector.broadcast %broadcast_in_dim3A : vector<1x2048xf32> to vector<2048x2048xf32>
    %eq3A_18 = arith.cmpf oeq, %add3A_16, %eq3A : vector<2048x2048xf32>
    %get3A_19 = arith.constant 0 : index
    %get3A_20 = arith.constant 0 : index
    %get3A_21 = vector.load %arg4[%get3A_19, %get3A_20] : memref<2048x1xf32, #tpu.memory_space<vmem>>, vector<2048x1xf32>
    %jit3A = arith.constant 2.048000e+03 : f32
    %broadcast_in_dim3A_22 = vector.shape_cast %get3A_21 : vector<2048x1xf32> to vector<2048x1xf32>
    %broadcast_in_dim3A_23 = vector.broadcast %broadcast_in_dim3A_22 : vector<2048x1xf32> to vector<2048x2048xf32>
    %broadcast_in_dim3A_24 = vector.broadcast %jit3A : f32 to vector<2048x2048xf32>
    %select_n3A = arith.select %eq3A_18, %broadcast_in_dim3A_23, %broadcast_in_dim3A_24 : vector<2048x2048xi1>, vector<2048x2048xf32>
    %reduce_min3A_25 = arith.constant dense<0x7F800000> : vector<2048xf32>
    %reduce_min3A_26 = vector.multi_reduction <minimumf>, %select_n3A, %reduce_min3A_25 [0] : vector<2048x2048xf32> to vector<2048xf32>
    %broadcast_in_dim3A_27 = vector.shape_cast %reduce_min3A_26 : vector<2048xf32> to vector<1x2048xf32>
    %convert_element_type3A = arith.fptosi %broadcast_in_dim3A_27 : vector<1x2048xf32> to vector<1x2048xi32>
    %reshape3A = vector.shape_cast %convert_element_type3A : vector<1x2048xi32> to vector<2x8x128xi32>
    %swap3A = arith.constant 0 : index
    %swap3A_28 = arith.constant 0 : index
    %swap3A_29 = arith.constant 0 : index
    %swap3A_30 = vector.load %arg5[%swap3A, %swap3A_28, %swap3A_29] : memref<2x8x128xi32, #tpu.memory_space<vmem>>, vector<2x8x128xi32>
    tpu.vector_store %arg5[%swap3A, %swap3A_28, %swap3A_29], %reshape3A {strides = array<i32>} : memref<2x8x128xi32, #tpu.memory_space<vmem>>, vector<2x8x128xi32>,
    %mul3A = arith.mulf %concatenate3A, %concatenate3A : vector<64x2048xf32>
    %reduce_sum3A = arith.constant dense<0.000000e+00> : vector<2048xf32>
    %reduce_sum3A_31 = vector.multi_reduction <add>, %mul3A, %reduce_sum3A [0] : vector<64x2048xf32> to vector<2048xf32>
    %broadcast_in_dim3A_32 = vector.shape_cast %reduce_sum3A_31 : vector<2048xf32> to vector<1x2048xf32>
    %add3A_33 = arith.addf %broadcast_in_dim3A, %broadcast_in_dim3A_32 : vector<1x2048xf32>
    %reduce_sum3A_34 = arith.constant dense<0.000000e+00> : vector<1xf32>
    %reduce_sum3A_35 = vector.multi_reduction <add>, %add3A_33, %reduce_sum3A_34 [1] : vector<1x2048xf32> to vector<1xf32>
    %broadcast_in_dim3A_36 = vector.shape_cast %reduce_sum3A_35 : vector<1xf32> to vector<1x1xf32>
    %eq3A_37 = arith.constant 0 : i32
    %eq3A_38 = arith.cmpi eq, %arg0, %eq3A_37 : i32
    %convert_element_type3A_39 = arith.extui %eq3A_38 : i1 to i32
    %cond3A = arith.constant 0 : i32
    %cond3A_40 = arith.cmpi ne, %convert_element_type3A_39, %cond3A : i32
    scf.if %cond3A_40 {
      %swap3A_50 = arith.constant 0 : index
      %swap3A_51 = arith.constant 0 : index
      %swap3A_52 = vector.load %arg6[%swap3A_50, %swap3A_51] : memref<1x1xf32, #tpu.memory_space<vmem>>, vector<1x1xf32>
      tpu.vector_store %arg6[%swap3A_50, %swap3A_51], %broadcast_in_dim3A_36 {strides = array<i32>} : memref<1x1xf32, #tpu.memory_space<vmem>>, vector<1x1xf32>,
    } else {
    }
    %gt3A = arith.constant 0 : i32
    %gt3A_41 = arith.cmpi sgt, %arg0, %gt3A : i32
    %convert_element_type3A_42 = arith.extui %gt3A_41 : i1 to i32
    %cond3A_43 = arith.constant 0 : i32
    %cond3A_44 = arith.cmpi ne, %convert_element_type3A_42, %cond3A_43 : i32
    scf.if %cond3A_44 {
      %get3A_50 = arith.constant 0 : index
      %get3A_51 = arith.constant 0 : index
      %get3A_52 = vector.load %arg6[%get3A_50, %get3A_51] : memref<1x1xf32, #tpu.memory_space<vmem>>, vector<1x1xf32>
      %add3A_53 = arith.addf %get3A_52, %broadcast_in_dim3A_36 : vector<1x1xf32>
      %swap3A_54 = arith.constant 0 : index
      %swap3A_55 = arith.constant 0 : index
      %swap3A_56 = vector.load %arg6[%swap3A_54, %swap3A_55] : memref<1x1xf32, #tpu.memory_space<vmem>>, vector<1x1xf32>
      tpu.vector_store %arg6[%swap3A_54, %swap3A_55], %add3A_53 {strides = array<i32>} : memref<1x1xf32, #tpu.memory_space<vmem>>, vector<1x1xf32>,
    } else {
    }
    %eq3A_45 = arith.constant 15 : i32
    %eq3A_46 = arith.cmpi eq, %arg0, %eq3A_45 : i32
    %convert_element_type3A_47 = arith.extui %eq3A_46 : i1 to i32
    %cond3A_48 = arith.constant 0 : i32
    %cond3A_49 = arith.cmpi ne, %convert_element_type3A_47, %cond3A_48 : i32
    scf.if %cond3A_49 {
      %get3A_50 = arith.constant 0 : index
      %get3A_51 = arith.constant 0 : index
      %get3A_52 = vector.load %arg6[%get3A_50, %get3A_51] : memref<1x1xf32, #tpu.memory_space<vmem>>, vector<1x1xf32>
      %mul3A_53 = arith.constant 5.96046448E-7 : f32
      %mul3A_54 = vector.broadcast %mul3A_53 : f32 to vector<1x1xf32>
      %mul3A_55 = arith.mulf %get3A_52, %mul3A_54 : vector<1x1xf32>
      %swap3A_56 = arith.constant 0 : index
      %swap3A_57 = arith.constant 0 : index
      %swap3A_58 = vector.load %arg6[%swap3A_56, %swap3A_57] : memref<1x1xf32, #tpu.memory_space<vmem>>, vector<1x1xf32>
      tpu.vector_store %arg6[%swap3A_56, %swap3A_57], %mul3A_55 {strides = array<i32>} : memref<1x1xf32, #tpu.memory_space<vmem>>, vector<1x1xf32>,
    } else {
    }
    return
  }
  func.func @transform_0(%arg0: i32) -> (i32, i32, i32) {
    %c0_i32 = arith.constant 0 : i32
    %c0_i32_0 = arith.constant 0 : i32
    %c0_i32_1 = arith.constant 0 : i32
    return %arg0, %c0_i32, %c0_i32_0 : i32, i32, i32
  }
  func.func @transform_1(%arg0: i32) -> (i32, i32) {
    %c0_i32 = arith.constant 0 : i32
    %c0_i32_0 = arith.constant 0 : i32
    %c0_i32_1 = arith.constant 0 : i32
    return %c0_i32, %c0_i32_0 : i32, i32
  }
  func.func @transform_2(%arg0: i32) -> (i32, i32) {
    %c0_i32 = arith.constant 0 : i32
    %c0_i32_0 = arith.constant 0 : i32
    %c0_i32_1 = arith.constant 0 : i32
    return %c0_i32, %c0_i32_0 : i32, i32
  }
  func.func @transform_3(%arg0: i32) -> (i32, i32) {
    %c0_i32 = arith.constant 0 : i32
    %c0_i32_0 = arith.constant 0 : i32
    %c0_i32_1 = arith.constant 0 : i32
    return %c0_i32, %c0_i32_0 : i32, i32
  }
  func.func @transform_4(%arg0: i32) -> (i32, i32, i32) {
    %c0_i32 = arith.constant 0 : i32
    %c0_i32_0 = arith.constant 0 : i32
    %c0_i32_1 = arith.constant 0 : i32
    return %arg0, %c0_i32, %c0_i32_0 : i32, i32, i32
  }
  func.func @transform_5(%arg0: i32) -> (i32, i32) {
    %c0_i32 = arith.constant 0 : i32
    %c0_i32_0 = arith.constant 0 : i32
    %c0_i32_1 = arith.constant 0 : i32
    return %c0_i32, %c0_i32_0 : i32, i32
  }
}

</mosaic_0001>

<sc_bundles>
// kernel: kernel.4.cloned.1.call-start
scs
__scs_entry_jumppad:
0x0: {  	(pc) =	sbr.rel $0x88, $3  }
0x1: {  	(tag) =	ssettag $0x0;
	lr =	simm.s32 $0x1  }
0x2: {  	[smem:$0x3F9C] =	sst lr;
	_ =	strace $0xD0000000  }
0x3: {  	_ = 	snop  }
0x4: {  	_ = 	snop  }
0x5: {  	_ = 	snop  }
0x6: {  	_ = 	snop  }
0x7: {  	_ = 	snop  }
__scs_overlays_trampoline_lowered:
0x8: {  	[smem:$0x3FAB] =	sst s0  }
0x9: {  	[smem:$0x3FAC] =	sst s1  }
0xa: {  	[smem:$0x3FAD] =	sst s2  }
0xb: {  	[smem:$0x3FAE] =	sst s3  }
0xc: {  	[smem:$0x3FAF] =	sst s4  }
0xd: {  	[smem:$0x3FB0] =	sst s5  }
0xe: {  	[smem:$0x3FB1] =	sst s6  }
0xf: {  	[smem:$0x3FB2] =	sst s7  }
0x10: {  	[smem:$0x3FB3] =	sst s8  }
0x11: {  	[smem:$0x3FB4] =	sst s9;
	s0 =	simm.s32 @!p0 $0x0  }
0x12: {  	s1 =	sld [smem:$0x3F9A];
	s0 =	simm.s32 @p0 $0x1  }
0x13: {  	[smem:$0x3FB5] =	sst s0;
	s0 =	simm.s32 @!p1 $0x0  }
0x14: {  	s2 =	sld [smem:$0x3F99];
	s0 =	simm.s32 @p1 $0x1  }
0x15: {  	[smem:$0x3FB6] =	sst s0;
	s0 =	simm.s32 @!p2 $0x0  }
0x16: {  	s3 =	sld [smem:$0x3FDB];
	s0 =	simm.s32 @p2 $0x1  }
0x17: {  	s4 =	simm.s32 $0x1BF5;
	[smem:$0x3FB8] =	sst s0  }
0x18: {  	s0 =	sld [smem:$0x3F9B];
	_ =	swait.ge [sflag:s4], $0x0  }
0x19: {  	s7 =	sld [smem:$0x3F9C]  }
0x1a: {  	s8 =	sadd.s32 $0xFFFFE003, lr  }
0x1b: {  	s9 =	sadd.s32 $0xFFFFFEF7, lr;
	s5 =	simm.s32 $0xFFFFFFFF;
	p2 =	slt.u32 s8, $0xFFFFF086  }
0x1c: {  	p1 =	slt.u32 s9, $0xF7A;
	s5 =	simm.s32 @!p2 $0x0  }
0x1d: {  	s5 =	simm.s32 @p1 $0x1;
	p0 =	seq.s32 s7, s2  }
0x1e: {  	s7 =	smul.u32 @!p0 $0xF7A, s2;
	p2 =	seq.s32 @!p0 s5, $0x0  }
0x1f: {  	s9 =	smul.u32 $0xF7A, s1;
	s8 =	simm.s32 @!p0 $0x1BF5;
	p2 =	por !p2, p0  }
0x20: {  	[sflag:s8] =	ssyncset.s32 @!p0 $0xFFFFF086;
	s6 =	sadd.s32 @!p0 s3, s7;
	s7 =	simm.s32 @!p0 $0x108  }
0x21: {  	s3 =	sadd.s32 s3, s9;
	s6 =	sadd.s32 @!p0 $0x88, s6;
	s7 =	simm.s32 @p2 $0x1082  }
0x22: {  	[simem:s7], [sflag:s8] =	dma.local @!p0 [hbm:s6], $0xF7A  }
0x23: {  	s9 =	sor.u32 $0xD0000000, s2;
	s6 =	simm.s32 $0x108;
	_ =	swait.ge @!p0 [sflag:s8], $0x0  }
0x24: {  	s3 =	sadd.s32 $0x88, s3;
	s6 =	simm.s32 @!p1 $0x1082;
	[sflag:s4] =	ssyncset.s32 $0xFFFFF086  }
0x25: {  	[simem:s6], [sflag:s4] =	dma.local [hbm:s3], $0xF7A  }
0x26: {  	[smem:$0x3F9C] =	sst s1;
	(tag) =	ssettag s2;
	_ =	strace s9  }
0x27: {  	s1 =	sld [smem:$0x3FAC]  }
0x28: {  	s2 =	sld [smem:$0x3FAD]  }
0x29: {  	s4 =	sld [smem:$0x3FAF]  }
0x2a: {  	p0 =	seq.s32 s5, $0x0;
	s5 =	sld [smem:$0x3FB0]  }
0x2b: {  	s6 =	sld [smem:$0x3FB1]  }
0x2c: {  	s7 =	sld [smem:$0x3FB2]  }
0x2d: {  	s3 =	simm.s32 $0x108;
	s8 =	sld [smem:$0x3FB3]  }
0x2e: {  	s3 =	simm.s32 @!p0 $0x1082;
	s9 =	sld [smem:$0x3FB4]  }
0x2f: {  	lr =	sadd.s32 s0, s3;
	s0 =	sld [smem:$0x3FAB]  }
0x30: {  	s3 =	sld [smem:$0x3FAE]  }
0x31: {  	[smem:$0x3FB7] =	sst s10  }
0x32: {  	s10 =	sld [smem:$0x3FB5];
	_ =	sdelay $0x3  }
0x33: {  	p0 =	seq.s32 s10, $0x1;
	s10 =	sld [smem:$0x3FB7];
	_ =	sdelay $0x3  }
0x34: {  	[smem:$0x3FB7] =	sst s10  }
0x35: {  	s10 =	sld [smem:$0x3FB6];
	_ =	sdelay $0x3  }
0x36: {  	p1 =	seq.s32 s10, $0x1;
	s10 =	sld [smem:$0x3FB7];
	_ =	sdelay $0x3  }
0x37: {  	[smem:$0x3FB7] =	sst s10  }
0x38: {  	s10 =	sld [smem:$0x3FB8]  }
0x39: {  	_ = 	snop;
	(pc) =	sbr.ind lr, $3  }
0x3a: {  	_ = 	snop  }
0x3b: {  	_ = 	snop  }
0x3c: {  	p2 =	seq.s32 s10, $0x1;
	s10 =	sld [smem:$0x3FB7]  }
0x3d: {  	_ =	shalt  }
0x3e: {  	_ =	shalt  }
0x3f: {  	_ =	shalt  }
0x40: {  	_ =	shalt  }
0x41: {  	_ =	shalt  }
0x42: {  	_ =	shalt  }
0x43: {  	_ =	shalt  }
0x44: {  	_ =	shalt  }
0x45: {  	_ =	shalt  }
0x46: {  	_ =	shalt  }
0x47: {  	_ =	shalt  }
0x48: {  	_ =	shalt  }
0x49: {  	_ =	shalt  }
0x4a: {  	_ =	shalt  }
0x4b: {  	_ =	shalt  }
0x4c: {  	_ =	shalt  }
0x4d: {  	_ =	shalt  }
0x4e: {  	_ =	shalt  }
0x4f: {  	_ =	shalt  }
0x50: {  	_ =	shalt  }
0x51: {  	_ =	shalt  }
0x52: {  	_ =	shalt  }
0x53: {  	_ =	shalt  }
0x54: {  	_ =	shalt  }
0x55: {  	_ =	shalt  }
0x56: {  	_ =	shalt  }
0x57: {  	_ =	shalt  }
0x58: {  	_ =	shalt  }
0x59: {  	_ =	shalt  }
0x5a: {  	_ =	shalt  }
0x5b: {  	_ =	shalt  }
0x5c: {  	_ =	shalt  }
0x5d: {  	_ =	shalt  }
0x5e: {  	_ =	shalt  }
0x5f: {  	_ =	shalt  }
0x60: {  	_ =	shalt  }
0x61: {  	_ =	shalt  }
0x62: {  	_ =	shalt  }
0x63: {  	_ =	shalt  }
0x64: {  	_ =	shalt  }
0x65: {  	_ =	shalt  }
0x66: {  	_ =	shalt  }
0x67: {  	_ =	shalt  }
0x68: {  	_ =	shalt  }
0x69: {  	_ =	shalt  }
0x6a: {  	_ =	shalt  }
0x6b: {  	_ =	shalt  }
0x6c: {  	_ =	shalt  }
0x6d: {  	_ =	shalt  }
0x6e: {  	_ =	shalt  }
0x6f: {  	_ =	shalt  }
0x70: {  	_ =	shalt  }
0x71: {  	_ =	shalt  }
0x72: {  	_ =	shalt  }
0x73: {  	_ =	shalt  }
0x74: {  	_ =	shalt  }
0x75: {  	_ =	shalt  }
0x76: {  	_ =	shalt  }
0x77: {  	_ =	shalt  }
0x78: {  	_ =	shalt  }
0x79: {  	_ =	shalt  }
0x7a: {  	_ =	shalt  }
0x7b: {  	_ =	shalt  }
0x7c: {  	_ =	shalt  }
0x7d: {  	_ =	shalt  }
0x7e: {  	_ =	shalt  }
0x7f: {  	_ =	shalt  }
0x80: {  	_ =	shalt  }
0x81: {  	_ =	shalt  }
0x82: {  	_ =	shalt  }
0x83: {  	_ =	shalt  }
0x84: {  	_ =	shalt  }
0x85: {  	_ =	shalt  }
0x86: {  	_ =	shalt  }
0x87: {  	_ =	shalt  }
.Lfunc_end0:
.L_simem_size_0:
called_computation_lowered:
.L_overlay_start_0:
0x88: {  	s2 =	sld [smem:$0x3FD9]  }
0x89: {  	s3 =	sld [smem:$0x3FFE];
	_ =	sdelay $0x1  }
0x8a: {  	s1 =	srdreg.scid  }
0x8b: {  	s0 =	sand.u32 $0x1, s1  }
0x8c: {  	s14 =	sshll.u32 s0, $0xA;
	s2 =	sadd.s32 s3, s2  }
0x8d: {  	s2 =	sadd.s32 s2, s14  }
0x8e: {  	[smem:$0x3FC3] =	sst s2  }
0x8f: {  	_ = 	snop  }
0x90: {  	s2 =	sld [smem:$0x3FD0];
	_ =	sdelay $0x2  }
0x91: {  	s15 =	simm.s32 $0xA;
	s4 =	simm.s32 $0x10  }
0x92: {  	[smem:s4], [sflag:s15] =	dma.local [hbm:s2], $0x1  }
0x93: {  	_ =	swait.eq [sflag:s15], $0x1  }
0x94: {  	[sflag:s15] =	ssyncset.done $0x0  }
0x95: {  	[sflag:s15] =	ssyncadd.s32 $0xFFFFFFFF  }
0x96: {  	s16 =	sld [smem:$0x10];
	(tm) =	ssettm $0x1  }
0x97: {  	s17 =	sld [smem:$0x3FFB];
	_ =	sdelay $0x3  }
0x98: {  	_ =	strace s17  }
0x99: {  	s3 =	sld [smem:$0x3FFC];
	_ =	sdelay $0x3  }
0x9a: {  	_ =	strace s3  }
0x9b: {  	s3 =	sld [smem:$0x3FFD];
	_ =	sdelay $0x3  }
0x9c: {  	_ =	strace s3  }
0x9d: {  	_ =	strace $0x8FFFFFFF  }
0x9e: {  	s18 =	sld [smem:$0x3FDB];
	_ =	sdelay $0x1  }
0x9f: {  	s19 =	simm.s32 $_scs_section_size  }
0xa0: {  	s5 =	simm.s32 $_size__tile_overlayer_lowered;
	s6 =	simm.s32 $_tile_overlayer_lowered  }
0xa1: {  	s22 =	simm.s32 $0x1BFF;
	s21 =	sshll.u32 s6, $0x1;
	s3 =	sadd.s32 s19, s18  }
0xa2: {  	s7 =	simm.s32 $0x0;
	s20 =	sshll.u32 s5, $0x1;
	s5 =	sadd.s32 s21, s3  }
0xa3: {  	[timem:s7], [sflag:s22] =	dma.local [hbm:s5], s20  }
0xa4: {  	_ =	swait.ge [sflag:s22], s20  }
0xa5: {  	s4 =	ssub.s32 $0x0, s20;
	[sflag:s22] =	ssyncset.done $0x0  }
0xa6: {  	[sflag:s22] =	ssyncadd.s32 s4;
	_ =	sdelay $0x1  }
0xa7: {  	s23 =	simm.s32 $0x1B8B  }
0xa8: {  	_ =	swait.ge [sflag:s23], $0x1  }
0xa9: {  	[sflag:s23] =	ssyncset.done $0x0  }
0xaa: {  	s25 =	simm.s32 $0x1B8E;
	s24 =	sld [smem:$0x3FFE];
	[sflag:s23] =	ssyncadd.s32 $0xFFFFFFFF  }
0xab: {  	s26 =	simm.s32 $execute0_lowered;
	[smem:$0x3FD2] =	sst s25  }
0xac: {  	s5 =	sshll.u32 s26, $0x1;
	_ =	strace $0x80000046;
	[dreg:$0x1] =	wrdreg $0xFFFFFFFF  }
0xad: {  	s28 =	simm.s32 $_size_execute0_lowered;
	s3 =	sadd.s32 s3, s5;
	[dreg:$0x0] =	wrdreg $0x0  }
0xae: {  	s5 =	sshll.u32 s28, $0x1;
	[dreg:$0x2] =	wrdreg s3  }
0xaf: {  	[dreg:$0x3] =	wrdreg s5  }
0xb0: {  	[dreg:$0x4] =	wrdreg $0xC0  }
0xb1: {  	_ =	task [dreg:s7], $0x5FFFF  }
0xb2: {  	[dreg:$0x1] =	wrdreg $0xFFFFFFFF  }
0xb3: {  	[dreg:$0x0] =	wrdreg $0x60  }
0xb4: {  	[dreg:$0x2] =	wrdreg s16  }
0xb5: {  	[dreg:$0x3] =	wrdreg s24  }
0xb6: {  	[dreg:$0x4] =	wrdreg $0x9  }
0xb7: {  	_ =	task.clear_ibuf [dreg:s7], $0x5FFFF;
	_ =	strace $0x90000046  }
0xb8: {  	s29 =	simm.s32 $0x9;
	_ =	strace $0x80000048  }
0xb9: {  	_ =	swait.ge [sflag:s29], $0x1  }
0xba: {  	[sflag:s29] =	ssyncadd.s32 $0xFFFFFFFF  }
0xbb: {  	_ =	strace $0x90000048  }
0xbc: {  	_ =	sfence  }
0xbd: {  	s30 =	sld [smem:$0x0];
	_ =	sdelay $0x2  }
0xbe: {  	s31 =	sshll.u32 s1, $0xD;
	s1 =	sshrl.u32 s1, $0x2  }
0xbf: {  	s3 =	sand.u32 $0x4000, s31;
	s1 =	sadd.s32 s1, s30  }
0xc0: {  	s0 =	sor.u32 s3, s0;
	s1 =	sshll.u32 s1, $0x11  }
0xc1: {  	s0 =	sor.u32 s1, s0  }
0xc2: {  	s0 =	sadd.s32 $0x8F2B, s0  }
0xc3: {  	[sflag:s0] =	ssyncadd.remote.s32 $0x1  }
0xc4: {  	_ =	sfence.sel $0xFFFF  }
0xc5: {  	[dreg:$0x0] =	wrdreg $0xFFFFFFFF;
	(pc) =	sbr.abs _section_cstart, $3  }
0xc6: {  	[dreg:$0x1] =	wrdreg $0xFFFFFFFF  }
0xc7: {  	_ =	task.clear_ibuf [dreg:s7], $0x2FFFF;
	_ =	strace $0x9FFFFFFF  }
0xc8: {  	(tm) =	ssettm $0x7FFFFFFF  }
0xc9: {  	_ =	shalt  }
tec
execute0_lowered:
.L_overlay_start_1:
0x0: {  	(tag) =	ssettag $0x1  }
0x1: {  	s2 =	rddreg [dreg:$0x0]  }
0x2: {  	s4 =	rddreg [dreg:$0x1]  }
0x3: {  	s0 =	rddreg [dreg:$0x2]  }
0x4: {  	s5 =	srdreg.scid;
	s1 =	stileid.u32;
	s3 =	simm.s32 $0x0  }
0x5: {  	s10 =	simm.s32 $0x400;
	s11 =	simm.s32 $0x2400;
	s12 =	simm.s32 $0x100  }
0x6: {  	s13 =	simm.s32 $0x4400;
	s14 =	simm.s32 $0x180;
	s15 =	simm.s32 $0x6400  }
0x7: {  	s16 =	simm.s32 $0x200;
	s17 =	simm.s32 $0x8400;
	s18 =	simm.s32 $0x280  }
0x8: {  	s19 =	simm.s32 $0xA400;
	s20 =	simm.s32 $0x300;
	s21 =	simm.s32 $0xC400  }
0x9: {  	s22 =	simm.s32 $0x380;
	s23 =	simm.s32 $0xE400;
	s24 =	simm.s32 $0x10400  }
0xa: {  	s25 =	simm.s32 $0x1;
	s5 =	sand.u32 $0x1, s5;
	s6 =	sshll.u32 s1, $0x1  }
0xb: {  	s26 =	simm.s32 $0x0;
	[smem:$0x7FF] =	sst s3;
	s6 =	sor.u32 s5, s6  }
0xc: {  	_ =	strace $0x80000047;
	s5 =	ssub.s32 $0x2, s5;
	s7 =	sshll.u32 s6, $0xD  }
0xd: {  	s8 =	sshll.u32 s6, $0x8;
	s9 =	sshrl.u32 s5, $0x1;
	s6 =	sshll.u32 s6, $0x7  }
0xe: {  	s7 =	sadd.s32 s7, s4;
	s8 =	sadd.s32 s8, s4;
	s9 =	ssub.s32 s5, s9  }
0xf: {  	s4 =	sadd.s32 s4, s6;
	s5 =	sadd.s32 $0x1000, s8;
	s6 =	sadd.s32 $0x3000, s7  }
0x10: {  	v0 =	vimm.f32 $0.0e+00;
	v1 =	vimm.f32 $1.000000000e+00;
	s7 =	smax.u32 s9, $0x1;
	s8 =	simm.s32 $0x2;
	s9 =	simm.s32 $0x80  }
.LBB2_1:
0x11: {  	[tilespmem:s3], [sflag:$0x2] =	stream.linear.gather [hbm4b:s4+s3], $0x400, $0x38;
	[tilespmem:$0x10C00] =	vst v63  }
0x12: {  	_ =	swait.ge [sflag:s8], $0x400  }
0x13: {  	[sflag:s8] =	ssyncset.done $0x0  }
0x14: {  	[sflag:s8] =	ssyncadd.s32 $0xFFFFFC00  }
0x15: {  	[tilespmem:s10], [sflag:$0x1] =	stream.indirect.gather [hbm4b:s2+s9], $0x40, s3, s9, $0xb8;
	[tilespmem:$0x10C00] =	vst v63  }
0x16: {  	_ = 	snop  }
0x17: {  	[tilespmem:s11], [sflag:$0x1] =	stream.indirect.gather [hbm4b:s2+s9], $0x40, s9, s9, $0xb8;
	[tilespmem:$0x10C00] =	vst v63  }
0x18: {  	_ = 	snop  }
0x19: {  	[tilespmem:s13], [sflag:$0x1] =	stream.indirect.gather [hbm4b:s2+s9], $0x40, s12, s9, $0xb8;
	[tilespmem:$0x10C00] =	vst v63  }
0x1a: {  	_ = 	snop  }
0x1b: {  	[tilespmem:s15], [sflag:$0x1] =	stream.indirect.gather [hbm4b:s2+s9], $0x40, s14, s9, $0xb8;
	[tilespmem:$0x10C00] =	vst v63  }
0x1c: {  	_ = 	snop  }
0x1d: {  	[tilespmem:s17], [sflag:$0x1] =	stream.indirect.gather [hbm4b:s2+s9], $0x40, s16, s9, $0xb8;
	[tilespmem:$0x10C00] =	vst v63  }
0x1e: {  	_ = 	snop  }
0x1f: {  	[tilespmem:s19], [sflag:$0x1] =	stream.indirect.gather [hbm4b:s2+s9], $0x40, s18, s9, $0xb8;
	[tilespmem:$0x10C00] =	vst v63  }
0x20: {  	_ = 	snop  }
0x21: {  	[tilespmem:s21], [sflag:$0x1] =	stream.indirect.gather [hbm4b:s2+s9], $0x40, s20, s9, $0xb8;
	[tilespmem:$0x10C00] =	vst v63  }
0x22: {  	s28 =	simm.s32 $0x0  }
0x23: {  	[tilespmem:s23], [sflag:$0x1] =	stream.indirect.gather [hbm4b:s2+s9], $0x40, s22, s9, $0xb8;
	[tilespmem:$0x10C00] =	vst v63  }
.LBB2_2:
0x24: {  	p0 =	sne.s32 s28, $0x1FC0  }
.Ltmp0:
0x25: {  	_ = 	snop;
	(pc) =	sbr.rel @p0 .LBB2_2-.Ltmp0, $3  }
0x26: {  	_ =	sdelay $0x1  }
0x27: {  	s29 =	sshra.s32 s28, $0x2  }
0x28: {  	s28 =	sadd.s32 $0x40, s28;
	[tilespmem:s29+$0x10400] =	vst v0  }
0x29: {  	s28 =	simm.s32 $0x0  }
0x2a: {  	s29 =	sand.u32 $0xE00, s28  }
0x2b: {  	s28 =	sand.u32 $0x70, s28;
	s29 =	sshrl.u32 s29, $0x2  }
0x2c: {  	s28 =	sor.u32 s28, s29  }
0x2d: {  	v2 =	vld [tilespmem:s28+$0x0];
	_ =	sdelay $0x4  }
0x2e: {  	s30 =	simm.s32 $0x40  }
0x2f: {  	s30 =	sand.u32 $0xE00, s30;
	s29 =	simm.s32 $0x80;
	s28 =	simm.s32 $0x10  }
.LBB2_4:
0x30: {  	p0 =	sne.s32 s29, $0xFC0;
	s31 =	sand.u32 $0x70, s28;
	s30 =	sshrl.u32 s30, $0x2  }
0x31: {  	s30 =	sor.u32 s31, s30;
	[tilespmem:v2+s24+$0x0] =	vst.idx.add.f32.msk $0xffff, v1  }
0x32: {  	v2 =	vld [tilespmem:s30+$0x0];
	_ =	sdelay $0x1  }
.Ltmp1:
0x33: {  	(pc) =	sbr.rel @p0 .LBB2_4-.Ltmp1, $2  }
0x34: {  	_ =	sdelay $0x2  }
0x35: {  	s28 =	sadd.s32 $0x10, s28;
	s30 =	sand.u32 $0xE00, s29;
	s29 =	sadd.s32 $0x40, s29  }
0x36: {  	_ =	sdelay $0x2  }
0x37: {  	s28 =	sand.u32 $0x70, s28;
	s29 =	sshrl.u32 s30, $0x2  }
0x38: {  	[tilespmem:v2+s24+$0x0] =	vst.idx.add.f32.msk $0xffff, v1;
	s28 =	sor.u32 s28, s29  }
0x39: {  	v2 =	vld [tilespmem:s28+$0x0];
	_ =	sdelay $0x7  }
0x3a: {  	[tilespmem:v2+s24+$0x0] =	vst.idx.add.f32.msk $0xffff, v1  }
0x3b: {  	[hbm4b:s5+s3] =	stream.linear.scatter [tilespmem:s24], [sflag:$0x2], $0x800, $0x38;
	[tilespmem:$0x10C00] =	vst v63  }
0x3c: {  	_ =	swait.ge [sflag:s8], $0x800  }
0x3d: {  	[sflag:s8] =	ssyncset.done $0x0  }
0x3e: {  	[sflag:s8] =	ssyncadd.s32 $0xFFFFF800  }
0x3f: {  	_ =	swait.ge [sflag:s25], $0x2000  }
0x40: {  	[sflag:s25] =	ssyncset.done $0x0  }
0x41: {  	[sflag:s25] =	ssyncadd.s32 $0xFFFFE000  }
0x42: {  	_ =	swait.ge [sflag:s25], $0x2000  }
0x43: {  	[sflag:s25] =	ssyncset.done $0x0  }
0x44: {  	[sflag:s25] =	ssyncadd.s32 $0xFFFFE000  }
0x45: {  	_ =	swait.ge [sflag:s25], $0x2000  }
0x46: {  	[sflag:s25] =	ssyncset.done $0x0  }
0x47: {  	[sflag:s25] =	ssyncadd.s32 $0xFFFFE000  }
0x48: {  	_ =	swait.ge [sflag:s25], $0x2000  }
0x49: {  	[sflag:s25] =	ssyncset.done $0x0  }
0x4a: {  	[sflag:s25] =	ssyncadd.s32 $0xFFFFE000  }
0x4b: {  	_ =	swait.ge [sflag:s25], $0x2000  }
0x4c: {  	[sflag:s25] =	ssyncset.done $0x0  }
0x4d: {  	[sflag:s25] =	ssyncadd.s32 $0xFFFFE000  }
0x4e: {  	_ =	swait.ge [sflag:s25], $0x2000  }
0x4f: {  	[sflag:s25] =	ssyncset.done $0x0  }
0x50: {  	[sflag:s25] =	ssyncadd.s32 $0xFFFFE000  }
0x51: {  	_ =	swait.ge [sflag:s25], $0x2000  }
0x52: {  	[sflag:s25] =	ssyncset.done $0x0  }
0x53: {  	[sflag:s25] =	ssyncadd.s32 $0xFFFFE000  }
0x54: {  	s26 =	sadd.s32 $0x1, s26;
	_ =	swait.ge [sflag:s25], $0x2000  }
0x55: {  	p0 =	sne.s32 s26, s7;
	[sflag:s25] =	ssyncset.done $0x0  }
.Ltmp2:
0x56: {  	[sflag:s25] =	ssyncadd.s32 $0xFFFFE000;
	(pc) =	sbr.rel @p0 .LBB2_1-.Ltmp2, $4  }
0x57: {  	[hbm4b:s6+s3] =	stream.linear.scatter [tilespmem:s10], [sflag:$0x2], $0x10000, $0x38;
	[tilespmem:$0x10C00] =	vst v63  }
0x58: {  	_ =	swait.ge [sflag:s8], $0x10000  }
0x59: {  	[sflag:s8] =	ssyncset.done $0x0  }
0x5a: {  	[sflag:s8] =	ssyncadd.s32 $0xFFFF0000  }
0x5b: {  	_ =	sfence.sel $0x180000  }
0x5c: {  	[bflag:$0x0] =	sbarrier.arrive $0xFFFF  }
0x5d: {  	p0 =	sne.s32 s1, $0x0;
	_ =	strace $0x90000047  }
0x5e: {  	s0 =	sadd.s32 @!p0 $0x100000, s0;
	[bflag:$0x2] =	sbarrier.arrive $0xFFFF  }
0x5f: {  	[sflag:s0] =	ssyncadd.tile.s32 @!p0 $0x1;
	_ =	shalt  }
.Lfunc_end2:
_tile_overlayer_lowered:
.L_overlay_start_2:
0x60: {  	(tag) =	ssettag $0x2  }
0x61: {  	s0 =	rddreg [dreg:$0x0];
	s2 =	stileid.u32  }
0x62: {  	s1 =	rddreg [dreg:$0x1];
	p0 =	sne.s32 s2, $0x0  }
0x63: {  	s3 =	rddreg [dreg:$0x2];
	[bflag:$0x3] =	sbarrier.arrive $0xFFFF;
	s2 =	simm.s32 @!p0 $0x1C02  }
0x64: {  	[timem:s3], [sflag:s2] =	dma.local @!p0 [hbm:s0], s1  }
0x65: {  	s0 =	simm.s32 @!p0 $0x2  }
0x66: {  	_ =	swait.ge @!p0 [sflag:s0], s1  }
0x67: {  	s1 =	ssub.s32 @!p0 $0x0, s1;
	[sflag:s0] =	ssyncset.done @!p0 $0x0  }
0x68: {  	[sflag:s0] =	ssyncadd.s32 @!p0 s1  }
0x69: {  	[bflag:$0x3] =	sbarrier.arrive $0xFFFF  }
0x6a: {  	_ =	shalt  }

</sc_bundles>
